<compile_context>
chip_gen: v7x
topology: tpu7x:2x2x1
jax: 0.10.2.dev20260603
libtpu: 0.0.44.dev20260713+nightly
codegen_flags: <defaults>
</compile_context>

<pallas_src>
import functools

import jax
import jax.numpy as jnp
from jax import lax
from jax.experimental import pallas as pl
from jax.experimental.pallas import tpu as pltpu
from jax.experimental.pallas import tpu_sc as plsc

N = 20000
K = 4000
NPAD = 4096
B = 128
NB = NPAD // B
Q = 1000
QPAD = 1024
IOU_T = 0.3
NEG = -1e9

_NW = 32
_CHUNK = NPAD // _NW


def _canon_rows(raw):
    cx = raw[0:1, :] * 1024.0
    cy = raw[1:2, :] * 1024.0
    w = raw[2:3, :] * 64.0 + 1.0
    h = raw[3:4, :] * 64.0 + 1.0
    x1 = cx - w / 2
    y1 = cy - h / 2
    x2 = cx + w / 2
    y2 = cy + h / 2
    return x1, y1, x2, y2, (x2 - x1) * (y2 - y1)


def _iou_gt(cols, rows):
    bx1, by1, bx2, by2, ba = cols
    x1r, y1r, x2r, y2r, ar = rows
    ix1 = jnp.maximum(bx1, x1r)
    iy1 = jnp.maximum(by1, y1r)
    ix2 = jnp.minimum(bx2, x2r)
    iy2 = jnp.minimum(by2, y2r)
    iw = jnp.maximum(ix2 - ix1, 0.0)
    ih = jnp.maximum(iy2 - iy1, 0.0)
    inter = iw * ih
    union = ba + ar - inter
    return (inter > IOU_T * union).astype(jnp.float32)


def _sc_gather(boxes_flat, top_idx):
    mesh = plsc.VectorSubcoreMesh(core_axis_name="c", subcore_axis_name="s")

    @functools.partial(
        pl.kernel,
        out_type=jax.ShapeDtypeStruct((4, _NW, _CHUNK), jnp.float32),
        mesh=mesh,
        scratch_types=[
            pltpu.VMEM((_CHUNK,), jnp.int32),
            pltpu.VMEM((_CHUNK,), jnp.int32),
            pltpu.VMEM((_CHUNK,), jnp.float32),
            pltpu.SemaphoreType.DMA,
        ],
    )
    def gather_kernel(flat_hbm, idx_hbm, rawr_hbm, idx_v, idx4_v, val_v, sem):
        wid = lax.axis_index("s") * 2 + lax.axis_index("c")
        base = wid * _CHUNK
        pltpu.sync_copy(idx_hbm.at[pl.ds(base, _CHUNK)], idx_v)
        for c in range(4):
            for i in range(_CHUNK // 16):
                sl = pl.ds(i * 16, 16)
                idx4_v[sl] = idx_v[sl] * 4 + c
            pltpu.async_copy(flat_hbm.at[idx4_v], val_v, sem).wait()
            pltpu.sync_copy(val_v, rawr_hbm.at[c, wid])

    return gather_kernel(boxes_flat, top_idx).reshape(4, NPAD)


def _canon_cols(raw):
    cx = raw[:, 0:1] * 1024.0
    cy = raw[:, 1:2] * 1024.0
    w = raw[:, 2:3] * 64.0 + 1.0
    h = raw[:, 3:4] * 64.0 + 1.0
    x1 = cx - w / 2
    y1 = cy - h / 2
    x2 = cx + w / 2
    y2 = cy + h / 2
    return x1, y1, x2, y2, (x2 - x1) * (y2 - y1)


def _nms_body(rawc_ref, sc_ref, out_ref, sup_ref, keep_ref, acc_ref):
    f32 = jnp.float32

    sup_ref[...] = jnp.zeros((NB, B), f32)
    keep_ref[...] = jnp.zeros((NB, B), f32)
    iota_l = lax.broadcasted_iota(jnp.int32, (1, B), 1)
    il = lax.broadcasted_iota(jnp.int32, (B, B), 0)
    jl = lax.broadcasted_iota(jnp.int32, (B, B), 1)
    tri = (il < jl).astype(f32)
    eye = (il == jl).astype(f32)

    rawr = jnp.concatenate([
        lax.dot_general(rawc_ref[k * B:(k + 1) * B, :], eye,
                        (((0,), (0,)), ((), ())),
                        precision=lax.Precision.HIGHEST,
                        preferred_element_type=f32)
        for k in range(NB)], axis=1)
    rows_all = _canon_rows(rawr)
    x1r, y1r, x2r, y2r, _ = rows_all

    def block_step(k, nk):
        c0 = k * B

        @pl.when(nk < float(Q))
        def _process():
            braw = rawc_ref[pl.ds(c0, B), :]
            cols = _canon_cols(braw)
            brows = tuple(
                lax.dot_general(v, eye, (((0,), (0,)), ((), ())),
                                precision=lax.Precision.HIGHEST,
                                preferred_element_type=f32)
                for v in cols)
            S = _iou_gt(cols, rows_all)
            S_tri = _iou_gt(cols, brows) * tri

            a0 = 1.0 - sup_ref[pl.ds(k, 1), :]

            def fstep(kk):
                cnt = jnp.dot(kk, S_tri, preferred_element_type=f32)
                return a0 * (cnt < 0.5).astype(f32)

            def w_cond(c):
                kprev, kk = c
                return jnp.any(kprev != kk)

            def w_body(c):
                _, kk = c
                return kk, fstep(kk)

            k1 = fstep(a0)
            k2 = fstep(k1)
            _, a = lax.while_loop(w_cond, w_body, (k1, k2))

            keep_ref[pl.ds(k, 1), :] = a
            cnt = jnp.dot(a, S, preferred_element_type=f32)
            hit = (cnt > 0.0).astype(f32)
            for m in range(NB):
                sup_ref[m:m + 1, :] = jnp.maximum(sup_ref[m:m + 1, :],
                                                  hit[0:1, m * B:(m + 1) * B])

        real_row = ((iota_l + c0) < K).astype(f32)
        return nk + jnp.sum(keep_ref[pl.ds(k, 1), :] * real_row)

    lax.fori_loop(0, NB, block_step, jnp.float32(0.0))

    keep_rows = keep_ref[...]

    gidx = (lax.broadcasted_iota(jnp.int32, (NB, B), 0) * B
            + lax.broadcasted_iota(jnp.int32, (NB, B), 1))
    real = (gidx < K).astype(f32)
    alive = keep_rows * real
    dead = (1.0 - keep_rows) * real

    Texc = tri
    ir = lax.broadcasted_iota(jnp.int32, (NB, NB), 0)
    jr = lax.broadcasted_iota(jnp.int32, (NB, NB), 1)
    Trow = (jr < ir).astype(f32)
    ones_col = jnp.ones((B, 1), f32)

    def excl_rank(m):
        within = jnp.dot(m, Texc, preferred_element_type=f32)
        rowsum = jnp.dot(m, ones_col, preferred_element_type=f32)
        offs = jnp.dot(Trow, rowsum, preferred_element_type=f32)
        return within + offs, jnp.sum(rowsum)

    rank_keep, n_keep = excl_rank(alive)
    rank_dead, _ = excl_rank(dead)
    r = jnp.where(alive > 0.0, rank_keep,
                  jnp.where(dead > 0.0, n_keep + rank_dead, 2.0 * NPAD))

    iq = lax.broadcasted_iota(jnp.int32, (QPAD, 1), 0).astype(f32)
    acc_ref[...] = jnp.zeros((QPAD, 8), f32)
    for k in range(NB):
        rk = r[k:k + 1, :]

        @pl.when(jnp.min(rk) < float(Q))
        def _select(k=k, rk=rk):
            alv = alive[k:k + 1, :]
            sck = sc_ref[0:1, k * B:(k + 1) * B]
            msk = jnp.where(alv > 0.0, sck, NEG)
            vk = jnp.concatenate([
                msk,
                x1r[0:1, k * B:(k + 1) * B],
                y1r[0:1, k * B:(k + 1) * B],
                x2r[0:1, k * B:(k + 1) * B],
                y2r[0:1, k * B:(k + 1) * B],
                jnp.zeros((3, B), f32),
            ], axis=0)
            eq = (iq == rk).astype(f32)
            acc_ref[...] = acc_ref[...] + lax.dot_general(
                eq, vk, (((1,), (1,)), ((), ())),
                precision=lax.Precision.HIGHEST,
                preferred_element_type=f32)
    out_ref[...] = acc_ref[...]


def _nms_call(rawc, sc, interpret=False):
    return pl.pallas_call(
        _nms_body,
        out_shape=jax.ShapeDtypeStruct((QPAD, 8), jnp.float32),
        scratch_shapes=[
            pltpu.VMEM((NB, B), jnp.float32),
            pltpu.VMEM((NB, B), jnp.float32),
            pltpu.VMEM((QPAD, 8), jnp.float32),
        ],
        interpret=interpret,
    )(rawc, sc)


@functools.partial(jax.jit, static_argnames=("interpret",))
def _run(boxes, scores, interpret=False):
    top_scores, top_idx = lax.top_k(scores, NPAD)
    rawc = jnp.take(boxes, top_idx, axis=0)
    sc = top_scores.reshape(1, NPAD)
    out = _nms_call(rawc, sc, interpret=interpret)
    return out[:Q, :5]




def _probe4_body(rawc_ref, sc_ref, out_ref):
    out_ref[...] = jnp.zeros((QPAD, 8), jnp.float32) + sc_ref[0, 0] + rawc_ref[0, 0]


def kernel(boxes, scores):
    top_scores, top_idx = lax.top_k(scores, NPAD)
    rawc = jnp.take(boxes, top_idx, axis=0)
    sc = top_scores.reshape(1, NPAD)
    out = pl.pallas_call(
        _probe4_body,
        out_shape=jax.ShapeDtypeStruct((QPAD, 8), jnp.float32),
    )(rawc, sc)
    return out[:Q, :5]

# --- scband reference (transcript-rebuilt; emitter-appended) ---
"""Pipeline reference for scband-emtransformer-6811818131573 (READ-ONLY COPY).

The authoritative reference and input builder live on the scoring server;
editing this copy changes nothing except your own understanding.
"""

import jax, jax.numpy as jnp
import numpy as np

N = 20000
NUM_TOPK = 4000  # two_stage_num_proposals * 4 (n_query_embeddings=1000)
NUM_QUERIES = 1000
IOU_THRESH = 0.3
NEG = -1e9


def setup_inputs(seed: int = 0) -> dict:
    key = jax.random.key(seed)
    k1, k2 = jax.random.split(key)
    boxes = jax.random.uniform(k1, (N, 4), dtype=jnp.float32)
    scores = jax.random.normal(k2, (N,), dtype=jnp.float32)
    return {"boxes": boxes, "scores": scores}


def _canonical_boxes(b):
    # map raw [0,1) params to valid (x1,y1,x2,y2) boxes on a 1024x1024 canvas
    cx = b[:, 0] * 1024.0
    cy = b[:, 1] * 1024.0
    w = b[:, 2] * 64.0 + 1.0
    h = b[:, 3] * 64.0 + 1.0
    return jnp.stack([cx - w / 2, cy - h / 2, cx + w / 2, cy + h / 2], axis=-1)


def _pairwise_iou(boxes):
    x1, y1, x2, y2 = boxes[:, 0], boxes[:, 1], boxes[:, 2], boxes[:, 3]
    area = (x2 - x1) * (y2 - y1)
    ix1 = jnp.maximum(x1[:, None], x1[None, :])
    iy1 = jnp.maximum(y1[:, None], y1[None, :])
    ix2 = jnp.minimum(x2[:, None], x2[None, :])
    iy2 = jnp.minimum(y2[:, None], y2[None, :])
    iw = jnp.clip(ix2 - ix1, 0.0)
    ih = jnp.clip(iy2 - iy1, 0.0)
    inter = iw * ih
    union = area[:, None] + area[None, :] - inter
    return inter / jnp.maximum(union, 1e-9)


def reference(boxes, scores):
    # proposal-selection core of EMTransformer.forward:
    # topk over encoder token logits, greedy NMS (iou=0.3) on spatial boxes,
    # then keep two_stage_num_proposals queries.
    b = _canonical_boxes(boxes)
    top_scores, top_idx = jax.lax.top_k(scores, NUM_TOPK)
    tb = jnp.take(b, top_idx, axis=0)
    iou = _pairwise_iou(tb)
    suppress = iou > IOU_THRESH
    idx = jnp.arange(NUM_TOPK)

    def body(i, keep):
        row = suppress[i] & (idx > i) & keep[i]
        return keep & (~row)

    keep = jax.lax.fori_loop(0, NUM_TOPK, body, jnp.ones((NUM_TOPK,), dtype=bool))
    keep = jax.lax.stop_gradient(keep)
    masked = jnp.where(keep, top_scores, NEG)
    q_scores, q_idx = jax.lax.top_k(masked, NUM_QUERIES)
    q_boxes = jnp.take(tb, q_idx, axis=0)
    out = jnp.concatenate([q_scores[:, None], q_boxes], axis=1)
    return out

if __name__ == "__main__":
    import jax
    _d = setup_inputs()
    print(jax.jit(kernel)(*tuple(_d.values())))

</pallas_src>

<mosaic_0001>
module attributes {stable_mosaic.version = 14 : i64} {
  func.func @_probe4_body(%arg0: memref<4096x4xf32, #tpu.memory_space<vmem>>, %arg1: memref<1x4096xf32, #tpu.memory_space<vmem>>, %arg2: memref<1024x8xf32, #tpu.memory_space<vmem>>) attributes {dimension_semantics = [], scalar_prefetch = 0 : i64, scratch_operands = 0 : i64, tpu.core_type = #tpu.core_type<tc>} {
    %broadcast_in_dim3A = arith.constant 0.000000e+00 : f32
    %broadcast_in_dim3A_0 = vector.broadcast %broadcast_in_dim3A : f32 to vector<1024x8xf32>
    %get3A = arith.constant 0 : index
    %get3A_1 = arith.constant 0 : index
    %get3A_2 = vector.load %arg1[%get3A, %get3A_1] : memref<1x4096xf32, #tpu.memory_space<vmem>>, vector<1x1xf32>
    %get3A_3 = vector.extract %get3A_2[0, 0] : f32 from vector<1x1xf32>
    %add3A = vector.broadcast %get3A_3 : f32 to vector<1024x8xf32>
    %add3A_4 = arith.addf %broadcast_in_dim3A_0, %add3A : vector<1024x8xf32>
    %get3A_5 = arith.constant 0 : index
    %get3A_6 = arith.constant 0 : index
    %get3A_7 = vector.load %arg0[%get3A_5, %get3A_6] : memref<4096x4xf32, #tpu.memory_space<vmem>>, vector<1x1xf32>
    %get3A_8 = vector.extract %get3A_7[0, 0] : f32 from vector<1x1xf32>
    %add3A_9 = vector.broadcast %get3A_8 : f32 to vector<1024x8xf32>
    %add3A_10 = arith.addf %add3A_4, %add3A_9 : vector<1024x8xf32>
    %swap3A = arith.constant 0 : index
    %swap3A_11 = arith.constant 0 : index
    %swap3A_12 = vector.load %arg2[%swap3A, %swap3A_11] : memref<1024x8xf32, #tpu.memory_space<vmem>>, vector<1024x8xf32>
    tpu.vector_store %arg2[%swap3A, %swap3A_11], %add3A_10 {strides = array<i32>} : memref<1024x8xf32, #tpu.memory_space<vmem>>, vector<1024x8xf32>,
    return
  }
}

</mosaic_0001>

<sc_bundles>
// kernel: gather_offload_async_start
scs
__scs_entry_jumppad:
0x0: {  	(pc) =	sbr.rel $0x88, $3  }
0x1: {  	(tag) =	ssettag $0x0;
	lr =	simm.s32 $0x1  }
0x2: {  	[smem:$0x3F9F] =	sst lr;
	_ =	strace $0xD0000000  }
0x3: {  	_ = 	snop  }
0x4: {  	_ = 	snop  }
0x5: {  	_ = 	snop  }
0x6: {  	_ = 	snop  }
0x7: {  	_ = 	snop  }
__scs_overlays_trampoline_lowered:
0x8: {  	[smem:$0x3FAE] =	sst s0  }
0x9: {  	[smem:$0x3FAF] =	sst s1  }
0xa: {  	[smem:$0x3FB0] =	sst s2  }
0xb: {  	[smem:$0x3FB1] =	sst s3  }
0xc: {  	[smem:$0x3FB2] =	sst s4  }
0xd: {  	[smem:$0x3FB3] =	sst s5  }
0xe: {  	[smem:$0x3FB4] =	sst s6  }
0xf: {  	[smem:$0x3FB5] =	sst s7  }
0x10: {  	[smem:$0x3FB6] =	sst s8  }
0x11: {  	[smem:$0x3FB7] =	sst s9;
	s0 =	simm.s32 @!p0 $0x0  }
0x12: {  	s1 =	sld [smem:$0x3F9D];
	s0 =	simm.s32 @p0 $0x1  }
0x13: {  	[smem:$0x3FB8] =	sst s0;
	s0 =	simm.s32 @!p1 $0x0  }
0x14: {  	s2 =	sld [smem:$0x3F9C];
	s0 =	simm.s32 @p1 $0x1  }
0x15: {  	[smem:$0x3FB9] =	sst s0;
	s0 =	simm.s32 @!p2 $0x0  }
0x16: {  	s3 =	sld [smem:$0x3FDB];
	s0 =	simm.s32 @p2 $0x1  }
0x17: {  	s4 =	simm.s32 $0x1BF5;
	[smem:$0x3FBB] =	sst s0  }
0x18: {  	s0 =	sld [smem:$0x3F9E];
	_ =	swait.ge [sflag:s4], $0x0  }
0x19: {  	s7 =	sld [smem:$0x3F9F]  }
0x1a: {  	s8 =	sadd.s32 $0xFFFFE003, lr  }
0x1b: {  	s9 =	sadd.s32 $0xFFFFFEF7, lr;
	s5 =	simm.s32 $0xFFFFFFFF;
	p2 =	slt.u32 s8, $0xFFFFF086  }
0x1c: {  	p1 =	slt.u32 s9, $0xF7A;
	s5 =	simm.s32 @!p2 $0x0  }
0x1d: {  	s5 =	simm.s32 @p1 $0x1;
	p0 =	seq.s32 s7, s2  }
0x1e: {  	s7 =	smul.u32 @!p0 $0xF7A, s2;
	p2 =	seq.s32 @!p0 s5, $0x0  }
0x1f: {  	s9 =	smul.u32 $0xF7A, s1;
	s8 =	simm.s32 @!p0 $0x1BF5;
	p2 =	por !p2, p0  }
0x20: {  	[sflag:s8] =	ssyncset.s32 @!p0 $0xFFFFF086;
	s6 =	sadd.s32 @!p0 s3, s7;
	s7 =	simm.s32 @!p0 $0x108  }
0x21: {  	s3 =	sadd.s32 s3, s9;
	s6 =	sadd.s32 @!p0 $0x88, s6;
	s7 =	simm.s32 @p2 $0x1082  }
0x22: {  	[simem:s7], [sflag:s8] =	dma.local @!p0 [hbm:s6], $0xF7A  }
0x23: {  	s9 =	sor.u32 $0xD0000000, s2;
	s6 =	simm.s32 $0x108;
	_ =	swait.ge @!p0 [sflag:s8], $0x0  }
0x24: {  	s3 =	sadd.s32 $0x88, s3;
	s6 =	simm.s32 @!p1 $0x1082;
	[sflag:s4] =	ssyncset.s32 $0xFFFFF086  }
0x25: {  	[simem:s6], [sflag:s4] =	dma.local [hbm:s3], $0xF7A  }
0x26: {  	[smem:$0x3F9F] =	sst s1;
	(tag) =	ssettag s2;
	_ =	strace s9  }
0x27: {  	s1 =	sld [smem:$0x3FAF]  }
0x28: {  	s2 =	sld [smem:$0x3FB0]  }
0x29: {  	s4 =	sld [smem:$0x3FB2]  }
0x2a: {  	p0 =	seq.s32 s5, $0x0;
	s5 =	sld [smem:$0x3FB3]  }
0x2b: {  	s6 =	sld [smem:$0x3FB4]  }
0x2c: {  	s7 =	sld [smem:$0x3FB5]  }
0x2d: {  	s3 =	simm.s32 $0x108;
	s8 =	sld [smem:$0x3FB6]  }
0x2e: {  	s3 =	simm.s32 @!p0 $0x1082;
	s9 =	sld [smem:$0x3FB7]  }
0x2f: {  	lr =	sadd.s32 s0, s3;
	s0 =	sld [smem:$0x3FAE]  }
0x30: {  	s3 =	sld [smem:$0x3FB1]  }
0x31: {  	[smem:$0x3FBA] =	sst s10  }
0x32: {  	s10 =	sld [smem:$0x3FB8];
	_ =	sdelay $0x3  }
0x33: {  	p0 =	seq.s32 s10, $0x1;
	s10 =	sld [smem:$0x3FBA];
	_ =	sdelay $0x3  }
0x34: {  	[smem:$0x3FBA] =	sst s10  }
0x35: {  	s10 =	sld [smem:$0x3FB9];
	_ =	sdelay $0x3  }
0x36: {  	p1 =	seq.s32 s10, $0x1;
	s10 =	sld [smem:$0x3FBA];
	_ =	sdelay $0x3  }
0x37: {  	[smem:$0x3FBA] =	sst s10  }
0x38: {  	s10 =	sld [smem:$0x3FBB]  }
0x39: {  	_ = 	snop;
	(pc) =	sbr.ind lr, $3  }
0x3a: {  	_ = 	snop  }
0x3b: {  	_ = 	snop  }
0x3c: {  	p2 =	seq.s32 s10, $0x1;
	s10 =	sld [smem:$0x3FBA]  }
0x3d: {  	_ =	shalt  }
0x3e: {  	_ =	shalt  }
0x3f: {  	_ =	shalt  }
0x40: {  	_ =	shalt  }
0x41: {  	_ =	shalt  }
0x42: {  	_ =	shalt  }
0x43: {  	_ =	shalt  }
0x44: {  	_ =	shalt  }
0x45: {  	_ =	shalt  }
0x46: {  	_ =	shalt  }
0x47: {  	_ =	shalt  }
0x48: {  	_ =	shalt  }
0x49: {  	_ =	shalt  }
0x4a: {  	_ =	shalt  }
0x4b: {  	_ =	shalt  }
0x4c: {  	_ =	shalt  }
0x4d: {  	_ =	shalt  }
0x4e: {  	_ =	shalt  }
0x4f: {  	_ =	shalt  }
0x50: {  	_ =	shalt  }
0x51: {  	_ =	shalt  }
0x52: {  	_ =	shalt  }
0x53: {  	_ =	shalt  }
0x54: {  	_ =	shalt  }
0x55: {  	_ =	shalt  }
0x56: {  	_ =	shalt  }
0x57: {  	_ =	shalt  }
0x58: {  	_ =	shalt  }
0x59: {  	_ =	shalt  }
0x5a: {  	_ =	shalt  }
0x5b: {  	_ =	shalt  }
0x5c: {  	_ =	shalt  }
0x5d: {  	_ =	shalt  }
0x5e: {  	_ =	shalt  }
0x5f: {  	_ =	shalt  }
0x60: {  	_ =	shalt  }
0x61: {  	_ =	shalt  }
0x62: {  	_ =	shalt  }
0x63: {  	_ =	shalt  }
0x64: {  	_ =	shalt  }
0x65: {  	_ =	shalt  }
0x66: {  	_ =	shalt  }
0x67: {  	_ =	shalt  }
0x68: {  	_ =	shalt  }
0x69: {  	_ =	shalt  }
0x6a: {  	_ =	shalt  }
0x6b: {  	_ =	shalt  }
0x6c: {  	_ =	shalt  }
0x6d: {  	_ =	shalt  }
0x6e: {  	_ =	shalt  }
0x6f: {  	_ =	shalt  }
0x70: {  	_ =	shalt  }
0x71: {  	_ =	shalt  }
0x72: {  	_ =	shalt  }
0x73: {  	_ =	shalt  }
0x74: {  	_ =	shalt  }
0x75: {  	_ =	shalt  }
0x76: {  	_ =	shalt  }
0x77: {  	_ =	shalt  }
0x78: {  	_ =	shalt  }
0x79: {  	_ =	shalt  }
0x7a: {  	_ =	shalt  }
0x7b: {  	_ =	shalt  }
0x7c: {  	_ =	shalt  }
0x7d: {  	_ =	shalt  }
0x7e: {  	_ =	shalt  }
0x7f: {  	_ =	shalt  }
0x80: {  	_ =	shalt  }
0x81: {  	_ =	shalt  }
0x82: {  	_ =	shalt  }
0x83: {  	_ =	shalt  }
0x84: {  	_ =	shalt  }
0x85: {  	_ =	shalt  }
0x86: {  	_ =	shalt  }
0x87: {  	_ =	shalt  }
.Lfunc_end0:
.L_simem_size_0:
called_computation_lowered:
.L_overlay_start_0:
0x88: {  	s2 =	sld [smem:$0x3FD9]  }
0x89: {  	s3 =	sld [smem:$0x3FFE];
	_ =	sdelay $0x1  }
0x8a: {  	s1 =	srdreg.scid  }
0x8b: {  	s0 =	sand.u32 $0x1, s1  }
0x8c: {  	s17 =	sshll.u32 s0, $0xA;
	s2 =	sadd.s32 s3, s2  }
0x8d: {  	s2 =	sadd.s32 s2, s17  }
0x8e: {  	[smem:$0x3FC6] =	sst s2  }
0x8f: {  	_ = 	snop  }
0x90: {  	s2 =	sld [smem:$0x3FD0];
	(tm) =	ssettm $0x1  }
0x91: {  	s18 =	sld [smem:$0x3FFB];
	_ =	sdelay $0x3  }
0x92: {  	_ =	strace s18  }
0x93: {  	s3 =	sld [smem:$0x3FFC];
	_ =	sdelay $0x3  }
0x94: {  	_ =	strace s3  }
0x95: {  	s3 =	sld [smem:$0x3FFD];
	_ =	sdelay $0x3  }
0x96: {  	_ =	strace s3  }
0x97: {  	_ =	strace $0x8FFFFFFF  }
0x98: {  	s19 =	sld [smem:$0x3FDB];
	_ =	sdelay $0x1  }
0x99: {  	s4 =	simm.s32 $_scs_section_size  }
0x9a: {  	s5 =	simm.s32 $_size__tile_overlayer_lowered;
	s6 =	simm.s32 $_tile_overlayer_lowered  }
0x9b: {  	s22 =	simm.s32 $0x1BFF;
	s21 =	sshll.u32 s6, $0x1;
	s3 =	sadd.s32 s4, s19  }
0x9c: {  	s7 =	simm.s32 $0x0;
	s20 =	sshll.u32 s5, $0x1;
	s5 =	sadd.s32 s21, s3  }
0x9d: {  	[timem:s7], [sflag:s22] =	dma.local [hbm:s5], s20  }
0x9e: {  	_ =	swait.ge [sflag:s22], s20  }
0x9f: {  	s4 =	ssub.s32 $0x0, s20;
	[sflag:s22] =	ssyncset.done $0x0  }
0xa0: {  	[sflag:s22] =	ssyncadd.s32 s4;
	_ =	sdelay $0x1  }
0xa1: {  	s23 =	simm.s32 $0x1B8B  }
0xa2: {  	_ =	swait.ge [sflag:s23], $0x1  }
0xa3: {  	[sflag:s23] =	ssyncset.done $0x0  }
0xa4: {  	s25 =	simm.s32 $0x1B8E;
	s24 =	sld [smem:$0x3FFE];
	[sflag:s23] =	ssyncadd.s32 $0xFFFFFFFF  }
0xa5: {  	s26 =	simm.s32 $execute0_lowered;
	[smem:$0x3FD2] =	sst s25  }
0xa6: {  	s5 =	sshll.u32 s26, $0x1;
	_ =	strace $0x80000046;
	[dreg:$0x1] =	wrdreg $0xFFFFFFFF  }
0xa7: {  	s28 =	simm.s32 $_size_execute0_lowered;
	s3 =	sadd.s32 s3, s5;
	[dreg:$0x0] =	wrdreg $0x0  }
0xa8: {  	s5 =	sshll.u32 s28, $0x1;
	[dreg:$0x2] =	wrdreg s3  }
0xa9: {  	[dreg:$0x3] =	wrdreg s5  }
0xaa: {  	[dreg:$0x4] =	wrdreg $0xC0  }
0xab: {  	_ =	task [dreg:s7], $0x5FFFF  }
0xac: {  	[dreg:$0x1] =	wrdreg $0xFFFFFFFF  }
0xad: {  	[dreg:$0x0] =	wrdreg $0x60  }
0xae: {  	[dreg:$0x2] =	wrdreg s24  }
0xaf: {  	[dreg:$0x3] =	wrdreg s2  }
0xb0: {  	[dreg:$0x4] =	wrdreg $0x9  }
0xb1: {  	_ =	task.clear_ibuf [dreg:s7], $0x5FFFF;
	_ =	strace $0x90000046  }
0xb2: {  	s29 =	simm.s32 $0x9;
	_ =	strace $0x80000048  }
0xb3: {  	_ =	swait.ge [sflag:s29], $0x1  }
0xb4: {  	[sflag:s29] =	ssyncadd.s32 $0xFFFFFFFF  }
0xb5: {  	_ =	strace $0x90000048  }
0xb6: {  	_ =	sfence  }
0xb7: {  	s30 =	sld [smem:$0x0];
	_ =	sdelay $0x2  }
0xb8: {  	s31 =	sshll.u32 s1, $0xD;
	s1 =	sshrl.u32 s1, $0x2  }
0xb9: {  	s3 =	sand.u32 $0x4000, s31;
	s1 =	sadd.s32 s1, s30  }
0xba: {  	s0 =	sor.u32 s3, s0;
	s1 =	sshll.u32 s1, $0x11  }
0xbb: {  	s0 =	sor.u32 s1, s0  }
0xbc: {  	s0 =	sadd.s32 $0x8F2B, s0  }
0xbd: {  	[sflag:s0] =	ssyncadd.remote.s32 $0x1  }
0xbe: {  	_ =	sfence.sel $0xFFFF  }
0xbf: {  	[dreg:$0x0] =	wrdreg $0xFFFFFFFF;
	(pc) =	sbr.abs _section_cstart, $3  }
0xc0: {  	[dreg:$0x1] =	wrdreg $0xFFFFFFFF  }
0xc1: {  	_ =	task.clear_ibuf [dreg:s7], $0x2FFFF;
	_ =	strace $0x9FFFFFFF  }
0xc2: {  	(tm) =	ssettm $0x7FFFFFFF  }
0xc3: {  	_ =	shalt  }
tec
execute0_lowered:
.L_overlay_start_1:
0x0: {  	(tag) =	ssettag $0x1  }
0x1: {  	s2 =	rddreg [dreg:$0x0]  }
0x2: {  	s3 =	rddreg [dreg:$0x1]  }
0x3: {  	s0 =	rddreg [dreg:$0x2];
	s1 =	srdreg.scid;
	_ =	strace $0x80000047  }
0x4: {  	s4 =	simm.s32 $0x1;
	s9 =	simm.s32 $0x3;
	s5 =	sshll.u32 s1, $0x4  }
.Ltmp0:
0x5: {  	s1 =	stileid.u32;
	s5 =	sand.u32 $0x10, s5;
	(pc) =	sbr.rel .LBB2_1-.Ltmp0, $4  }
0x6: {  	s12 =	simm.s32 $0x0;
	s10 =	simm.s32 $0x0;
	s6 =	sor.u32 s1, s5  }
0x7: {  	[sflag:s4] =	ssyncpa.u1 $0x0;
	s5 =	simm.s32 $0x2;
	s6 =	sshll.u32 s6, $0x7  }
0x8: {  	s7 =	sadd.s32 $0x4E200, s2;
	[sflag:s5] =	ssyncpa.u1 $0x0;
	s8 =	sadd.s32 $0x80, s6  }
0x9: {  	vm0 =	vmmov $0xff;
	vm1 =	vcmask $0x3F20;
	[sflag:s9] =	ssyncpa.u1 $0x0;
	s9 =	simm.s32 $0x80;
	s11 =	smov.u32 s6  }
.LBB2_9:
0xa: {  	p0 =	seq.s32 s10, $0x2  }
.Ltmp1:
0xb: {  	_ = 	snop;
	(pc) =	sbr.rel @p0 .LBB2_11-.Ltmp1, $1  }
0xc: {  	_ =	sdelay $0x3  }
.LBB2_10:
0xd: {  	s12 =	sadd.s32 $0x80, s11  }
0xe: {  	s13 =	smov.u32 s6;
	p0 =	slt.s32 s12, s8  }
0xf: {  	s13 =	smov.u32 @p0 s12  }
0x10: {  	s10 =	sadd.s32 $0x1, s10;
	s12 =	smov.u32 s11;
	s11 =	smov.u32 s13  }
.LBB2_1:
0x11: {  	p0 =	sne.s32 s10, $0x0  }
.Ltmp2:
0x12: {  	_ = 	snop;
	(pc) =	sbr.rel @!p0 .LBB2_2-.Ltmp2, $1  }
0x13: {  	_ =	sdelay $0x3  }
0x14: {  	s13 =	sand.u32 $0x1, s10  }
0x15: {  	p0 =	seq.s32 s13, $0x0  }
.Ltmp3:
0x16: {  	_ = 	snop;
	(pc) =	sbr.rel @p0 .LBB2_9-.Ltmp3, $1  }
0x17: {  	_ =	sdelay $0x3  }
0x18: {  	_ =	swait.ge [sflag:s5], $0x80  }
0x19: {  	[sflag:s5] =	ssyncset.done $0x0  }
0x1a: {  	s13 =	simm.s32 $0x0;
	[sflag:s5] =	ssyncadd.s32 $0xFFFFFF80  }
0x1b: {  	v0 =	vld.msk [tilespmem:s13+$0x80 ss:$0x1], $0xffff;
	_ =	sdelay $0x4  }
0x1c: {  	vm2 =	vgt.s32 v0, $0x0  }
0x1d: {  	v0 =	vnsel vm2, $0x0, v0  }
0x1e: {  	v0 =	vmin.u32 v0, $0x4E1F  }
0x1f: {  	v0 =	vshll.u32 v0, $0x4;
	_ =	sdelay $0x3  }
0x20: {  	s13 =	simm.s32 $0x4100  }
0x21: {  	[tilespmem:s13], [sflag:$0x1] =	stream.indirect_vreg.gather [hbm:s2], $0x80, v0, vm0, $0x38;
	[tilespmem:$0x8100] =	vst v63  }
0x22: {  	s14 =	simm.s32 $0x4500;
	s31 =	simm.s32 $0x10  }
0x23: {  	[tilespmem:s14], [sflag:$0x1] =	stream.indirect_vreg.gather [hbm:s2], $0x80, v0, vm1, $0x38;
	[tilespmem:$0x8100] =	vst v63  }
0x24: {  	s14 =	simm.s32 $0x80;
	v0 =	vld.msk [tilespmem:s31+$0x80 ss:$0x1], $0xffff  }
.LBB2_5:
0x25: {  	p0 =	sne.s32 s14, $0x1C0;
	_ =	sdelay $0x4  }
0x26: {  	vm2 =	vgt.s32 v0, $0x0  }
0x27: {  	v0 =	vnsel vm2, $0x0, v0  }
0x28: {  	v0 =	vmin.u32 v0, $0x4E1F  }
0x29: {  	v0 =	vshll.u32 v0, $0x4;
	_ =	sdelay $0x3  }
.Ltmp4:
0x2a: {  	s13 =	sadd.s32 $0x800, s13;
	(pc) =	sbr.rel @p0 .LBB2_5-.Ltmp4, $4  }
0x2b: {  	[tilespmem:s13], [sflag:$0x1] =	stream.indirect_vreg.gather [hbm:s2], $0x80, v0, vm0, $0x38;
	[tilespmem:$0x8100] =	vst v63  }
0x2c: {  	s15 =	sshra.s32 s14, $0x2;
	s16 =	sadd.s32 $0x400, s13  }
0x2d: {  	[tilespmem:s16], [sflag:$0x1] =	stream.indirect_vreg.gather [hbm:s2], $0x80, v0, vm1, $0x38;
	[tilespmem:$0x8100] =	vst v63  }
0x2e: {  	s14 =	sadd.s32 $0x40, s14;
	v0 =	vld.msk [tilespmem:s15+$0x80 ss:$0x1], $0xffff  }
0x2f: {  	_ =	sdelay $0x3  }
0x30: {  	vm2 =	vgt.s32 v0, $0x0  }
0x31: {  	v0 =	vnsel vm2, $0x0, v0  }
0x32: {  	v0 =	vmin.u32 v0, $0x4E1F  }
0x33: {  	v0 =	vshll.u32 v0, $0x4;
	_ =	sdelay $0x3  }
0x34: {  	s13 =	sadd.s32 $0x800, s13  }
0x35: {  	[tilespmem:s13], [sflag:$0x1] =	stream.indirect_vreg.gather [hbm:s2], $0x80, v0, vm0, $0x38;
	[tilespmem:$0x8100] =	vst v63  }
0x36: {  	s13 =	sadd.s32 $0x400, s13  }
0x37: {  	[tilespmem:s13], [sflag:$0x1] =	stream.indirect_vreg.gather [hbm:s2], $0x80, v0, vm1, $0x38;
	[tilespmem:$0x8100] =	vst v63  }
0x38: {  	s12 =	sshll.u32 s12, $0x4;
	s14 =	simm.s32 $0x80;
	_ =	swait.ge [sflag:s4], $0x4000  }
0x39: {  	s15 =	simm.s32 $0x4500;
	s12 =	sadd.s32 s12, s7;
	[sflag:s4] =	ssyncset.done $0x0  }
0x3a: {  	s16 =	sadd.s32 $0x0, s12;
	s13 =	simm.s32 $0x4100;
	[sflag:s4] =	ssyncadd.s32 $0xFFFFC000  }
.LBB2_7:
0x3b: {  	[hbm:s16] =	stream.linear.scatter [tilespmem:s13], [sflag:$0x3], $0x400, $0x38;
	[tilespmem:$0x8100] =	vst v63  }
0x3c: {  	s16 =	smov.u32 s14;
	s13 =	smov.u32 s15;
	p0 =	sne.s32 s14, $0x780  }
.Ltmp5:
0x3d: {  	s14 =	sadd.s32 $0x80, s14;
	(pc) =	sbr.rel @p0 .LBB2_7-.Ltmp5, $2  }
0x3e: {  	_ =	sdelay $0x2  }
0x3f: {  	s15 =	sadd.s32 $0x400, s15;
	s16 =	sadd.s32 s16, s12  }
.Ltmp6:
0x40: {  	(pc) =	sbr.rel .LBB2_9-.Ltmp6, $2  }
0x41: {  	_ =	sdelay $0x2  }
0x42: {  	[hbm:s16] =	stream.linear.scatter [tilespmem:s13], [sflag:$0x3], $0x400, $0x38;
	[tilespmem:$0x8100] =	vst v63  }
.LBB2_2:
.Ltmp7:
0x43: {  	(pc) =	sbr.rel .LBB2_10-.Ltmp7, $4  }
0x44: {  	_ = 	snop  }
0x45: {  	s12 =	sshrl.u32 s11, $0x3  }
0x46: {  	s13 =	sand.u32 $0x7, s11;
	s12 =	sadd.s32 s3, s12  }
0x47: {  	[tilespmem:s9], [sflag:$0x2] =	stream.linear.gather [hbm4b:s12+s13], $0x80, $0x38;
	[tilespmem:$0x8100] =	vst v63  }
.LBB2_11:
0x48: {  	s2 =	simm.s32 $0x3  }
0x49: {  	_ =	swait.ge [sflag:s2], $0x4000  }
0x4a: {  	[sflag:s2] =	ssyncset.done $0x0  }
0x4b: {  	[sflag:s2] =	ssyncadd.s32 $0xFFFFC000  }
0x4c: {  	_ =	sfence.sel $0x180000  }
0x4d: {  	s3 =	simm.s32 $0x2;
	[bflag:$0x0] =	sbarrier.arrive $0xFFFF  }
0x4e: {  	[sflag:s3] =	ssyncpa.u1 $0x1  }
0x4f: {  	s31 =	simm.s32 $0x1;
	[sflag:s2] =	ssyncpa.u1 $0x1  }
0x50: {  	[sflag:s31] =	ssyncpa.u1 $0x1  }
0x51: {  	p0 =	sne.s32 s1, $0x0;
	_ =	strace $0x90000047  }
0x52: {  	s0 =	sadd.s32 @!p0 $0x100000, s0;
	[bflag:$0x2] =	sbarrier.arrive $0xFFFF  }
0x53: {  	[sflag:s0] =	ssyncadd.tile.s32 @!p0 $0x1;
	_ =	shalt  }
.Lfunc_end2:
_tile_overlayer_lowered:
.L_overlay_start_2:
0x54: {  	(tag) =	ssettag $0x2  }
0x55: {  	s0 =	rddreg [dreg:$0x0];
	s2 =	stileid.u32  }
0x56: {  	s1 =	rddreg [dreg:$0x1];
	p0 =	sne.s32 s2, $0x0  }
0x57: {  	s3 =	rddreg [dreg:$0x2];
	[bflag:$0x3] =	sbarrier.arrive $0xFFFF;
	s2 =	simm.s32 @!p0 $0x1C01  }
0x58: {  	[timem:s3], [sflag:s2] =	dma.local @!p0 [hbm:s0], s1  }
0x59: {  	s0 =	simm.s32 @!p0 $0x1  }
0x5a: {  	_ =	swait.ge @!p0 [sflag:s0], s1  }
0x5b: {  	s1 =	ssub.s32 @!p0 $0x0, s1;
	[sflag:s0] =	ssyncset.done @!p0 $0x0  }
0x5c: {  	[sflag:s0] =	ssyncadd.s32 @!p0 s1  }
0x5d: {  	[bflag:$0x3] =	sbarrier.arrive $0xFFFF  }
0x5e: {  	_ =	shalt  }

</sc_bundles>
